<compile_context>
chip_gen: v7x
topology: tpu7x:2x2x1
jax: 0.10.2.dev20260603
libtpu: 0.0.44.dev20260713+nightly
codegen_flags: <defaults>
</compile_context>

<pallas_src>
import functools

import jax
import jax.numpy as jnp
from jax import lax
from jax.experimental import pallas as pl
from jax.experimental.pallas import tpu as pltpu
from jax.experimental.pallas import tpu_sc as plsc

_B = 1024
_K = 1024
_D = 64
_BB = 1024
_DP = 128


def _vq_body(s_ref, l_ref, w0_ref, b0_ref, w1_ref, b1_ref, w2_ref, b2_ref,
             cb_ref, u_ref, idx_ref):
    x = jnp.concatenate((s_ref[...], l_ref[...]), axis=1)
    h = jnp.maximum(
        jnp.dot(x, w0_ref[...], preferred_element_type=jnp.float32) + b0_ref[...], 0.0)
    h = jnp.maximum(
        jnp.dot(h, w1_ref[...], preferred_element_type=jnp.float32) + b1_ref[...], 0.0)
    u = jnp.dot(h, w2_ref[...], preferred_element_type=jnp.float32) + b2_ref[...]
    u_ref[...] = u

    u_aug = jnp.concatenate((u * -2.0, jnp.ones((_BB, 1), jnp.float32)), axis=1)
    cb = cb_ref[...]
    c2 = jnp.sum(cb * cb, axis=1, keepdims=True)
    cb_aug = jnp.concatenate((cb, c2), axis=1)
    d = lax.dot_general(u_aug, cb_aug, (((1,), (1,)), ((), ())),
                        preferred_element_type=jnp.float32,
                        precision=lax.Precision.HIGHEST)
    dmin = jnp.min(d, axis=1, keepdims=True)
    iota = lax.broadcasted_iota(jnp.int32, d.shape, 1)
    idx_ref[...] = jnp.min(jnp.where(d == dmin, iota, _K), axis=1,
                           keepdims=True)


def _tc_stage(skills, language_operators, W0, b0, W1, b1, W2, b2, codebook):
    nsteps = _B // _BB
    row_block = lambda i: (i, 0)
    whole = lambda i: (0, 0)
    return pl.pallas_call(
        _vq_body,
        grid=(nsteps,),
        in_specs=[
            pl.BlockSpec((_BB, 128), row_block),
            pl.BlockSpec((_BB, 512), row_block),
            pl.BlockSpec((640, 256), whole),
            pl.BlockSpec((1, 256), whole),
            pl.BlockSpec((256, 256), whole),
            pl.BlockSpec((1, 256), whole),
            pl.BlockSpec((256, _D), whole),
            pl.BlockSpec((1, _D), whole),
            pl.BlockSpec((_K, _D), whole),
        ],
        out_specs=(
            pl.BlockSpec((_BB, _D), row_block),
            pl.BlockSpec((_BB, 1), row_block),
        ),
        out_shape=(
            jax.ShapeDtypeStruct((_B, _D), jnp.float32),
            jax.ShapeDtypeStruct((_B, 1), jnp.int32),
        ),
        compiler_params=pltpu.CompilerParams(
            dimension_semantics=("arbitrary",),
        ),
    )(skills, language_operators, W0, b0[None, :], W1, b1[None, :],
      W2, b2[None, :], codebook)


def _sc_gather(codebook_padded, idx):
    info = plsc.get_sparse_core_info()
    nc, ns = info.num_cores, info.num_subcores
    nw = nc * ns
    b_per_w = _B // nw
    mesh = plsc.VectorSubcoreMesh(core_axis_name="c", subcore_axis_name="s")

    @functools.partial(
        pl.kernel, mesh=mesh,
        out_type=jax.ShapeDtypeStruct((_B, _DP), jnp.float32),
        scratch_types=[
            pltpu.VMEM((b_per_w,), jnp.int32),
            pltpu.VMEM((b_per_w, _DP), jnp.float32),
            pltpu.SemaphoreType.DMA,
        ],
    )
    def gather_kernel(cb_hbm, idx_hbm, out_hbm, idx_v, rows_v, sem):
        wid = lax.axis_index("s") * nc + lax.axis_index("c")
        base = wid * b_per_w
        pltpu.sync_copy(idx_hbm.at[pl.ds(base, b_per_w)], idx_v)
        k = 4
        chunk = b_per_w // k
        copies = [
            pltpu.async_copy(cb_hbm.at[idx_v.at[pl.ds(j * chunk, chunk)]],
                             rows_v.at[pl.ds(j * chunk, chunk)], sem)
            for j in range(k)
        ]
        for c in copies:
            c.wait()
        pltpu.sync_copy(rows_v, out_hbm.at[pl.ds(base, b_per_w)])

    return gather_kernel(codebook_padded, idx)


def kernel(skills, language_operators, W0, b0, W1, b1, W2, b2, codebook):
    u, idx2d = _tc_stage(skills, language_operators, W0, b0, W1, b1, W2, b2,
                         codebook)
    cb_pad = jnp.pad(codebook, ((0, 0), (0, _DP - _D)))
    q = _sc_gather(cb_pad, idx2d.reshape(_B))[:, :_D]
    return (u, q)

# --- scband reference (transcript-rebuilt; emitter-appended) ---
"""Pipeline reference for scband-prim-intent-embedding-vq-87883620811207 (READ-ONLY COPY).

The authoritative reference and input builder live on the scoring server;
editing this copy changes nothing except your own understanding.
"""

import jax, jax.numpy as jnp
import numpy as np

B, D_SKILL, D_LANG = 1024, 128, 512
H = 256
K, D = 1024, 64


def setup_inputs(seed: int = 0) -> dict:
    key = jax.random.key(seed)
    ks = jax.random.split(key, 8)

    def init_w(k, fan_in, fan_out):
        return (jax.random.normal(k, (fan_in, fan_out), jnp.float32) * (1.0 / np.sqrt(fan_in)))

    skills = jax.random.normal(ks[0], (B, D_SKILL), jnp.float32)
    language_operators = jax.random.normal(ks[1], (B, D_LANG), jnp.float32)
    W0 = init_w(ks[2], D_SKILL + D_LANG, H)
    b0 = jnp.zeros((H,), jnp.float32)
    W1 = init_w(ks[3], H, H)
    b1 = jnp.zeros((H,), jnp.float32)
    W2 = init_w(ks[4], H, D)
    b2 = jnp.zeros((D,), jnp.float32)
    codebook = jax.random.normal(ks[5], (K, D), jnp.float32)
    return {
        "skills": skills,
        "language_operators": language_operators,
        "W0": W0, "b0": b0,
        "W1": W1, "b1": b1,
        "W2": W2, "b2": b2,
        "codebook": codebook,
    }


def reference(skills, language_operators, W0, b0, W1, b1, W2, b2, codebook):
    # get_unquantized_vec: concat skill + language guidance, embed via MLP (net_arch=[256,256])
    skill_lang = jnp.concatenate((skills, language_operators), axis=-1)
    h = jax.nn.relu(skill_lang @ W0 + b0)
    h = jax.nn.relu(h @ W1 + b1)
    unquantized_vec = h @ W2 + b2  # [B, codebook_dim], squash_output=False

    # get_nearest_code_idxs: broadcast subtraction [B, K, D], L2 norm over last dim, argmin over K
    uq = jnp.expand_dims(unquantized_vec, axis=unquantized_vec.ndim - 1)  # [B, 1, D]
    cb = jnp.expand_dims(codebook, axis=0)  # [1, K, D]
    distance = jnp.linalg.norm(uq - cb, axis=-1, keepdims=False)  # [B, K]
    nearest_idxs = jnp.argmin(distance, axis=-1)  # [B]

    # get_quantized_vec: codebook lookup (embedding gather)
    quantized_vec = jnp.take(codebook, nearest_idxs, axis=0)  # [B, D]
    return (unquantized_vec, quantized_vec)

if __name__ == "__main__":
    import jax
    _d = setup_inputs()
    print(jax.jit(kernel)(*tuple(_d.values())))

</pallas_src>

<mosaic_0001>
#map = affine_map<(d0, d1) -> (0, 0)>
#map1 = affine_map<(d0, d1) -> (0)>
module attributes {stable_mosaic.version = 14 : i64} {
  func.func @gather_kernel(%arg0: i32, %arg1: i32, %arg2: memref<1024x128xf32, #tpu.memory_space<hbm>>, %arg3: memref<1024xi32, #tpu.memory_space<hbm>>, %arg4: memref<1024x128xf32, #tpu.memory_space<hbm>>, %arg5: memref<32xi32, #tpu.memory_space<vmem>>, %arg6: memref<32x128xf32, #tpu.memory_space<vmem>>, %arg7: memref<!tpu.dma_semaphore, #tpu.memory_space<semaphore_mem>>) attributes {dimension_semantics = [#tpu.dimension_semantics<core_parallel>, #tpu.dimension_semantics<subcore_parallel>], iteration_bounds = array<i64: 2, 16>, scalar_prefetch = 0 : i64, scratch_operands = 3 : i64, tpu.core_type = #tpu.core_type<sc_vector_subcore>, window_params = [{transform_indices = #map}, {transform_indices = #map1}, {transform_indices = #map}]} {
    %mul3A = arith.constant 2 : i32
    %mul3A_0 = arith.muli %arg1, %mul3A : i32
    %add3A = arith.addi %mul3A_0, %arg0 : i32
    %mul3A_1 = arith.constant 32 : i32
    %mul3A_2 = arith.muli %add3A, %mul3A_1 : i32
    "tpu.region"() ({
      %run_scoped3A = tpu.sem_alloc : memref<!tpu.dma_semaphore, #tpu.memory_space<semaphore_mem>>
      %dma_start3A_65 = tpu.memref_slice %arg3[%mul3A_2] : memref<1024xi32, #tpu.memory_space<hbm>> -> memref<32xi32, #tpu.memory_space<hbm>>
      %dma_start3A_66 = tpu.memref_slice %arg3[%mul3A_2] : memref<1024xi32, #tpu.memory_space<hbm>> -> memref<32xi32, #tpu.memory_space<hbm>>
      tpu.enqueue_dma source(%dma_start3A_66 : memref<32xi32, #tpu.memory_space<hbm>>) target(%arg5 : memref<32xi32, #tpu.memory_space<vmem>>) target_semaphore(%run_scoped3A : memref<!tpu.dma_semaphore, #tpu.memory_space<semaphore_mem>>)
      %dma_wait3A_67 = tpu.memref_slice %arg3[%mul3A_2] : memref<1024xi32, #tpu.memory_space<hbm>> -> memref<32xi32, #tpu.memory_space<hbm>>
      %dma_wait3A_68 = tpu.memref_slice %arg3[%mul3A_2] : memref<1024xi32, #tpu.memory_space<hbm>> -> memref<32xi32, #tpu.memory_space<hbm>>
      tpu.wait_dma2 semaphore(%run_scoped3A : memref<!tpu.dma_semaphore, #tpu.memory_space<semaphore_mem>>) src(%dma_wait3A_68 : memref<32xi32, #tpu.memory_space<hbm>>) dst(%arg5 : memref<32xi32, #tpu.memory_space<vmem>>)
      tpu.yield
    }) : () -> ()
    %dma_start3A = arith.constant 0 : i32
    %dma_start3A_3 = arith.constant 0 : i32
    %dma_start3A_4 = tpu.memref_slice %arg6[%dma_start3A, %dma_start3A_3] : memref<32x128xf32, #tpu.memory_space<vmem>> -> memref<8x128xf32, #tpu.memory_space<vmem>>
    %dma_start3A_5 = arith.constant 0 : i32
    %dma_start3A_6 = tpu.memref_slice %arg5[%dma_start3A_5] : memref<32xi32, #tpu.memory_space<vmem>> -> memref<8xi32, #tpu.memory_space<vmem>>
    %dma_start3A_7 = arith.constant 0 : i32
    %dma_start3A_8 = arith.constant 0 : i32
    %dma_start3A_9 = tpu.memref_slice %arg2[%dma_start3A_7, %dma_start3A_8] : memref<1024x128xf32, #tpu.memory_space<hbm>> -> memref<1024x128xf32, #tpu.memory_space<hbm>>
    tpu.enqueue_indirect_dma source(%dma_start3A_9 : memref<1024x128xf32, #tpu.memory_space<hbm>>) target(%dma_start3A_4 : memref<8x128xf32, #tpu.memory_space<vmem>>) offsets(%dma_start3A_6 : memref<8xi32, #tpu.memory_space<vmem>>) semaphore(%arg7 : memref<!tpu.dma_semaphore, #tpu.memory_space<semaphore_mem>>)
    %dma_start3A_10 = arith.constant 8 : i32
    %dma_start3A_11 = arith.constant 0 : i32
    %dma_start3A_12 = tpu.memref_slice %arg6[%dma_start3A_10, %dma_start3A_11] : memref<32x128xf32, #tpu.memory_space<vmem>> -> memref<8x128xf32, #tpu.memory_space<vmem>>
    %dma_start3A_13 = arith.constant 8 : i32
    %dma_start3A_14 = tpu.memref_slice %arg5[%dma_start3A_13] : memref<32xi32, #tpu.memory_space<vmem>> -> memref<8xi32, #tpu.memory_space<vmem>>
    %dma_start3A_15 = arith.constant 0 : i32
    %dma_start3A_16 = arith.constant 0 : i32
    %dma_start3A_17 = tpu.memref_slice %arg2[%dma_start3A_15, %dma_start3A_16] : memref<1024x128xf32, #tpu.memory_space<hbm>> -> memref<1024x128xf32, #tpu.memory_space<hbm>>
    tpu.enqueue_indirect_dma source(%dma_start3A_17 : memref<1024x128xf32, #tpu.memory_space<hbm>>) target(%dma_start3A_12 : memref<8x128xf32, #tpu.memory_space<vmem>>) offsets(%dma_start3A_14 : memref<8xi32, #tpu.memory_space<vmem>>) semaphore(%arg7 : memref<!tpu.dma_semaphore, #tpu.memory_space<semaphore_mem>>)
    %dma_start3A_18 = arith.constant 16 : i32
    %dma_start3A_19 = arith.constant 0 : i32
    %dma_start3A_20 = tpu.memref_slice %arg6[%dma_start3A_18, %dma_start3A_19] : memref<32x128xf32, #tpu.memory_space<vmem>> -> memref<8x128xf32, #tpu.memory_space<vmem>>
    %dma_start3A_21 = arith.constant 16 : i32
    %dma_start3A_22 = tpu.memref_slice %arg5[%dma_start3A_21] : memref<32xi32, #tpu.memory_space<vmem>> -> memref<8xi32, #tpu.memory_space<vmem>>
    %dma_start3A_23 = arith.constant 0 : i32
    %dma_start3A_24 = arith.constant 0 : i32
    %dma_start3A_25 = tpu.memref_slice %arg2[%dma_start3A_23, %dma_start3A_24] : memref<1024x128xf32, #tpu.memory_space<hbm>> -> memref<1024x128xf32, #tpu.memory_space<hbm>>
    tpu.enqueue_indirect_dma source(%dma_start3A_25 : memref<1024x128xf32, #tpu.memory_space<hbm>>) target(%dma_start3A_20 : memref<8x128xf32, #tpu.memory_space<vmem>>) offsets(%dma_start3A_22 : memref<8xi32, #tpu.memory_space<vmem>>) semaphore(%arg7 : memref<!tpu.dma_semaphore, #tpu.memory_space<semaphore_mem>>)
    %dma_start3A_26 = arith.constant 24 : i32
    %dma_start3A_27 = arith.constant 0 : i32
    %dma_start3A_28 = tpu.memref_slice %arg6[%dma_start3A_26, %dma_start3A_27] : memref<32x128xf32, #tpu.memory_space<vmem>> -> memref<8x128xf32, #tpu.memory_space<vmem>>
    %dma_start3A_29 = arith.constant 24 : i32
    %dma_start3A_30 = tpu.memref_slice %arg5[%dma_start3A_29] : memref<32xi32, #tpu.memory_space<vmem>> -> memref<8xi32, #tpu.memory_space<vmem>>
    %dma_start3A_31 = arith.constant 0 : i32
    %dma_start3A_32 = arith.constant 0 : i32
    %dma_start3A_33 = tpu.memref_slice %arg2[%dma_start3A_31, %dma_start3A_32] : memref<1024x128xf32, #tpu.memory_space<hbm>> -> memref<1024x128xf32, #tpu.memory_space<hbm>>
    tpu.enqueue_indirect_dma source(%dma_start3A_33 : memref<1024x128xf32, #tpu.memory_space<hbm>>) target(%dma_start3A_28 : memref<8x128xf32, #tpu.memory_space<vmem>>) offsets(%dma_start3A_30 : memref<8xi32, #tpu.memory_space<vmem>>) semaphore(%arg7 : memref<!tpu.dma_semaphore, #tpu.memory_space<semaphore_mem>>)
    %dma_wait3A = arith.constant 0 : i32
    %dma_wait3A_34 = arith.constant 0 : i32
    %dma_wait3A_35 = tpu.memref_slice %arg6[%dma_wait3A, %dma_wait3A_34] : memref<32x128xf32, #tpu.memory_space<vmem>> -> memref<8x128xf32, #tpu.memory_space<vmem>>
    %dma_wait3A_36 = arith.constant 0 : i32
    %dma_wait3A_37 = tpu.memref_slice %arg5[%dma_wait3A_36] : memref<32xi32, #tpu.memory_space<vmem>> -> memref<8xi32, #tpu.memory_space<vmem>>
    %dma_wait3A_38 = arith.constant 0 : i32
    %dma_wait3A_39 = arith.constant 0 : i32
    %dma_wait3A_40 = tpu.memref_slice %arg2[%dma_wait3A_38, %dma_wait3A_39] : memref<1024x128xf32, #tpu.memory_space<hbm>> -> memref<1024x128xf32, #tpu.memory_space<hbm>>
    tpu.wait_indirect_dma semaphore(%arg7 : memref<!tpu.dma_semaphore, #tpu.memory_space<semaphore_mem>>) src(%dma_wait3A_40 : memref<1024x128xf32, #tpu.memory_space<hbm>>) dst(%dma_wait3A_35 : memref<8x128xf32, #tpu.memory_space<vmem>>)
    %dma_wait3A_41 = arith.constant 8 : i32
    %dma_wait3A_42 = arith.constant 0 : i32
    %dma_wait3A_43 = tpu.memref_slice %arg6[%dma_wait3A_41, %dma_wait3A_42] : memref<32x128xf32, #tpu.memory_space<vmem>> -> memref<8x128xf32, #tpu.memory_space<vmem>>
    %dma_wait3A_44 = arith.constant 8 : i32
    %dma_wait3A_45 = tpu.memref_slice %arg5[%dma_wait3A_44] : memref<32xi32, #tpu.memory_space<vmem>> -> memref<8xi32, #tpu.memory_space<vmem>>
    %dma_wait3A_46 = arith.constant 0 : i32
    %dma_wait3A_47 = arith.constant 0 : i32
    %dma_wait3A_48 = tpu.memref_slice %arg2[%dma_wait3A_46, %dma_wait3A_47] : memref<1024x128xf32, #tpu.memory_space<hbm>> -> memref<1024x128xf32, #tpu.memory_space<hbm>>
    tpu.wait_indirect_dma semaphore(%arg7 : memref<!tpu.dma_semaphore, #tpu.memory_space<semaphore_mem>>) src(%dma_wait3A_48 : memref<1024x128xf32, #tpu.memory_space<hbm>>) dst(%dma_wait3A_43 : memref<8x128xf32, #tpu.memory_space<vmem>>)
    %dma_wait3A_49 = arith.constant 16 : i32
    %dma_wait3A_50 = arith.constant 0 : i32
    %dma_wait3A_51 = tpu.memref_slice %arg6[%dma_wait3A_49, %dma_wait3A_50] : memref<32x128xf32, #tpu.memory_space<vmem>> -> memref<8x128xf32, #tpu.memory_space<vmem>>
    %dma_wait3A_52 = arith.constant 16 : i32
    %dma_wait3A_53 = tpu.memref_slice %arg5[%dma_wait3A_52] : memref<32xi32, #tpu.memory_space<vmem>> -> memref<8xi32, #tpu.memory_space<vmem>>
    %dma_wait3A_54 = arith.constant 0 : i32
    %dma_wait3A_55 = arith.constant 0 : i32
    %dma_wait3A_56 = tpu.memref_slice %arg2[%dma_wait3A_54, %dma_wait3A_55] : memref<1024x128xf32, #tpu.memory_space<hbm>> -> memref<1024x128xf32, #tpu.memory_space<hbm>>
    tpu.wait_indirect_dma semaphore(%arg7 : memref<!tpu.dma_semaphore, #tpu.memory_space<semaphore_mem>>) src(%dma_wait3A_56 : memref<1024x128xf32, #tpu.memory_space<hbm>>) dst(%dma_wait3A_51 : memref<8x128xf32, #tpu.memory_space<vmem>>)
    %dma_wait3A_57 = arith.constant 24 : i32
    %dma_wait3A_58 = arith.constant 0 : i32
    %dma_wait3A_59 = tpu.memref_slice %arg6[%dma_wait3A_57, %dma_wait3A_58] : memref<32x128xf32, #tpu.memory_space<vmem>> -> memref<8x128xf32, #tpu.memory_space<vmem>>
    %dma_wait3A_60 = arith.constant 24 : i32
    %dma_wait3A_61 = tpu.memref_slice %arg5[%dma_wait3A_60] : memref<32xi32, #tpu.memory_space<vmem>> -> memref<8xi32, #tpu.memory_space<vmem>>
    %dma_wait3A_62 = arith.constant 0 : i32
    %dma_wait3A_63 = arith.constant 0 : i32
    %dma_wait3A_64 = tpu.memref_slice %arg2[%dma_wait3A_62, %dma_wait3A_63] : memref<1024x128xf32, #tpu.memory_space<hbm>> -> memref<1024x128xf32, #tpu.memory_space<hbm>>
    tpu.wait_indirect_dma semaphore(%arg7 : memref<!tpu.dma_semaphore, #tpu.memory_space<semaphore_mem>>) src(%dma_wait3A_64 : memref<1024x128xf32, #tpu.memory_space<hbm>>) dst(%dma_wait3A_59 : memref<8x128xf32, #tpu.memory_space<vmem>>)
    "tpu.region"() ({
      %run_scoped3A = tpu.sem_alloc : memref<!tpu.dma_semaphore, #tpu.memory_space<semaphore_mem>>
      %dma_start3A_65 = arith.constant 0 : i32
      %dma_start3A_66 = tpu.memref_slice %arg4[%mul3A_2, %dma_start3A_65] : memref<1024x128xf32, #tpu.memory_space<hbm>> -> memref<32x128xf32, #tpu.memory_space<hbm>>
      %dma_start3A_67 = arith.constant 0 : i32
      %dma_start3A_68 = tpu.memref_slice %arg4[%mul3A_2, %dma_start3A_67] : memref<1024x128xf32, #tpu.memory_space<hbm>> -> memref<32x128xf32, #tpu.memory_space<hbm>>
      tpu.enqueue_dma source(%arg6 : memref<32x128xf32, #tpu.memory_space<vmem>>) target(%dma_start3A_68 : memref<32x128xf32, #tpu.memory_space<hbm>>) target_semaphore(%run_scoped3A : memref<!tpu.dma_semaphore, #tpu.memory_space<semaphore_mem>>)
      %dma_wait3A_69 = arith.constant 0 : i32
      %dma_wait3A_70 = tpu.memref_slice %arg4[%mul3A_2, %dma_wait3A_69] : memref<1024x128xf32, #tpu.memory_space<hbm>> -> memref<32x128xf32, #tpu.memory_space<hbm>>
      %dma_wait3A_71 = arith.constant 0 : i32
      %dma_wait3A_72 = tpu.memref_slice %arg4[%mul3A_2, %dma_wait3A_71] : memref<1024x128xf32, #tpu.memory_space<hbm>> -> memref<32x128xf32, #tpu.memory_space<hbm>>
      tpu.wait_dma2 semaphore(%run_scoped3A : memref<!tpu.dma_semaphore, #tpu.memory_space<semaphore_mem>>) src(%arg6 : memref<32x128xf32, #tpu.memory_space<vmem>>) dst(%dma_wait3A_72 : memref<32x128xf32, #tpu.memory_space<hbm>>)
      tpu.yield
    }) : () -> ()
    return
  }
}

module attributes {stable_mosaic.version = 14 : i64} {
  func.func @_vq_body(%arg0: i32, %arg1: memref<1024x128xf32, #tpu.memory_space<vmem>>, %arg2: memref<1024x512xf32, #tpu.memory_space<vmem>>, %arg3: memref<640x256xf32, #tpu.memory_space<vmem>>, %arg4: memref<1x256xf32, #tpu.memory_space<vmem>>, %arg5: memref<256x256xf32, #tpu.memory_space<vmem>>, %arg6: memref<1x256xf32, #tpu.memory_space<vmem>>, %arg7: memref<256x64xf32, #tpu.memory_space<vmem>>, %arg8: memref<1x64xf32, #tpu.memory_space<vmem>>, %arg9: memref<1024x64xf32, #tpu.memory_space<vmem>>, %arg10: memref<1024x64xf32, #tpu.memory_space<vmem>>, %arg11: memref<1024x1xi32, #tpu.memory_space<vmem>>) attributes {dimension_semantics = [#tpu.dimension_semantics<arbitrary>], iteration_bounds = array<i64: 1>, scalar_prefetch = 0 : i64, scratch_operands = 0 : i64, tpu.core_type = #tpu.core_type<tc>, window_params = [{transform_indices = @transform_0, window_bounds = array<i64: 1024, 128>}, {transform_indices = @transform_1, window_bounds = array<i64: 1024, 512>}, {pipeline_mode = #tpu.pipeline_mode<synchronous>, transform_indices = @transform_2, window_bounds = array<i64: 640, 256>}, {pipeline_mode = #tpu.pipeline_mode<synchronous>, transform_indices = @transform_3, window_bounds = array<i64: 1, 256>}, {pipeline_mode = #tpu.pipeline_mode<synchronous>, transform_indices = @transform_4, window_bounds = array<i64: 256, 256>}, {pipeline_mode = #tpu.pipeline_mode<synchronous>, transform_indices = @transform_5, window_bounds = array<i64: 1, 256>}, {pipeline_mode = #tpu.pipeline_mode<synchronous>, transform_indices = @transform_6, window_bounds = array<i64: 256, 64>}, {pipeline_mode = #tpu.pipeline_mode<synchronous>, transform_indices = @transform_7, window_bounds = array<i64: 1, 64>}, {pipeline_mode = #tpu.pipeline_mode<synchronous>, transform_indices = @transform_8, window_bounds = array<i64: 1024, 64>}, {transform_indices = @transform_9, window_bounds = array<i64: 1024, 64>}, {transform_indices = @transform_10, window_bounds = array<i64: 1024, 1>}]} {
    %get3A = arith.constant 0 : index
    %get3A_0 = arith.constant 0 : index
    %get3A_1 = vector.load %arg1[%get3A, %get3A_0] : memref<1024x128xf32, #tpu.memory_space<vmem>>, vector<1024x128xf32>
    %get3A_2 = arith.constant 0 : index
    %get3A_3 = arith.constant 0 : index
    %get3A_4 = vector.load %arg2[%get3A_2, %get3A_3] : memref<1024x512xf32, #tpu.memory_space<vmem>>, vector<1024x512xf32>
    %concatenate3A = tpu.concatenate %get3A_1, %get3A_4 in 1 : vector<1024x128xf32>, vector<1024x512xf32> -> vector<1024x640xf32>
    %get3A_5 = arith.constant 0 : index
    %get3A_6 = arith.constant 0 : index
    %get3A_7 = vector.load %arg3[%get3A_5, %get3A_6] : memref<640x256xf32, #tpu.memory_space<vmem>>, vector<640x256xf32>
    %dot_general3A = arith.constant dense<0.000000e+00> : vector<1024x256xf32>
    %dot_general3A_8 = tpu.matmul %concatenate3A, %get3A_7, %dot_general3A {dimension_numbers = #tpu.dot_dimension_numbers<[1], [0], [0], [1], [0, 0, 1, 1], [], []>, transpose_lhs_hint = false} : vector<1024x640xf32>, vector<640x256xf32>, vector<1024x256xf32> -> vector<1024x256xf32>
    %get3A_9 = arith.constant 0 : index
    %get3A_10 = arith.constant 0 : index
    %get3A_11 = vector.load %arg4[%get3A_9, %get3A_10] : memref<1x256xf32, #tpu.memory_space<vmem>>, vector<1x256xf32>
    %add3A = vector.broadcast %get3A_11 : vector<1x256xf32> to vector<1024x256xf32>
    %add3A_12 = arith.addf %dot_general3A_8, %add3A : vector<1024x256xf32>
    %max3A = arith.constant 0.000000e+00 : f32
    %max3A_13 = vector.broadcast %max3A : f32 to vector<1024x256xf32>
    %max3A_14 = arith.maximumf %add3A_12, %max3A_13 : vector<1024x256xf32>
    %get3A_15 = arith.constant 0 : index
    %get3A_16 = arith.constant 0 : index
    %get3A_17 = vector.load %arg5[%get3A_15, %get3A_16] : memref<256x256xf32, #tpu.memory_space<vmem>>, vector<256x256xf32>
    %dot_general3A_18 = arith.constant dense<0.000000e+00> : vector<1024x256xf32>
    %dot_general3A_19 = tpu.matmul %max3A_14, %get3A_17, %dot_general3A_18 {dimension_numbers = #tpu.dot_dimension_numbers<[1], [0], [0], [1], [0, 0, 1, 1], [], []>, transpose_lhs_hint = false} : vector<1024x256xf32>, vector<256x256xf32>, vector<1024x256xf32> -> vector<1024x256xf32>
    %get3A_20 = arith.constant 0 : index
    %get3A_21 = arith.constant 0 : index
    %get3A_22 = vector.load %arg6[%get3A_20, %get3A_21] : memref<1x256xf32, #tpu.memory_space<vmem>>, vector<1x256xf32>
    %add3A_23 = vector.broadcast %get3A_22 : vector<1x256xf32> to vector<1024x256xf32>
    %add3A_24 = arith.addf %dot_general3A_19, %add3A_23 : vector<1024x256xf32>
    %max3A_25 = arith.constant 0.000000e+00 : f32
    %max3A_26 = vector.broadcast %max3A_25 : f32 to vector<1024x256xf32>
    %max3A_27 = arith.maximumf %add3A_24, %max3A_26 : vector<1024x256xf32>
    %get3A_28 = arith.constant 0 : index
    %get3A_29 = arith.constant 0 : index
    %get3A_30 = vector.load %arg7[%get3A_28, %get3A_29] : memref<256x64xf32, #tpu.memory_space<vmem>>, vector<256x64xf32>
    %dot_general3A_31 = arith.constant dense<0.000000e+00> : vector<1024x64xf32>
    %dot_general3A_32 = tpu.matmul %max3A_27, %get3A_30, %dot_general3A_31 {dimension_numbers = #tpu.dot_dimension_numbers<[1], [0], [0], [1], [0, 0, 1, 1], [], []>, transpose_lhs_hint = false} : vector<1024x256xf32>, vector<256x64xf32>, vector<1024x64xf32> -> vector<1024x64xf32>
    %get3A_33 = arith.constant 0 : index
    %get3A_34 = arith.constant 0 : index
    %get3A_35 = vector.load %arg8[%get3A_33, %get3A_34] : memref<1x64xf32, #tpu.memory_space<vmem>>, vector<1x64xf32>
    %add3A_36 = vector.broadcast %get3A_35 : vector<1x64xf32> to vector<1024x64xf32>
    %add3A_37 = arith.addf %dot_general3A_32, %add3A_36 : vector<1024x64xf32>
    %swap3A = arith.constant 0 : index
    %swap3A_38 = arith.constant 0 : index
    %swap3A_39 = vector.load %arg10[%swap3A, %swap3A_38] : memref<1024x64xf32, #tpu.memory_space<vmem>>, vector<1024x64xf32>
    tpu.vector_store %arg10[%swap3A, %swap3A_38], %add3A_37 {strides = array<i32>} : memref<1024x64xf32, #tpu.memory_space<vmem>>, vector<1024x64xf32>,
    %mul3A = arith.constant -2.000000e+00 : f32
    %mul3A_40 = vector.broadcast %mul3A : f32 to vector<1024x64xf32>
    %mul3A_41 = arith.mulf %add3A_37, %mul3A_40 : vector<1024x64xf32>
    %broadcast_in_dim3A = arith.constant 1.000000e+00 : f32
    %broadcast_in_dim3A_42 = vector.broadcast %broadcast_in_dim3A : f32 to vector<1024x1xf32>
    %concatenate3A_43 = tpu.concatenate %mul3A_41, %broadcast_in_dim3A_42 in 1 : vector<1024x64xf32>, vector<1024x1xf32> -> vector<1024x65xf32>
    %get3A_44 = arith.constant 0 : index
    %get3A_45 = arith.constant 0 : index
    %get3A_46 = vector.load %arg9[%get3A_44, %get3A_45] : memref<1024x64xf32, #tpu.memory_space<vmem>>, vector<1024x64xf32>
    %mul3A_47 = arith.mulf %get3A_46, %get3A_46 : vector<1024x64xf32>
    %reduce_sum3A = arith.constant dense<0.000000e+00> : vector<1024xf32>
    %reduce_sum3A_48 = vector.multi_reduction <add>, %mul3A_47, %reduce_sum3A [1] : vector<1024x64xf32> to vector<1024xf32>
    %broadcast_in_dim3A_49 = vector.shape_cast %reduce_sum3A_48 : vector<1024xf32> to vector<1024x1xf32>
    %concatenate3A_50 = tpu.concatenate %get3A_46, %broadcast_in_dim3A_49 in 1 : vector<1024x64xf32>, vector<1024x1xf32> -> vector<1024x65xf32>
    %dot_general3A_51 = arith.constant dense<0.000000e+00> : vector<1024x1024xf32>
    %dot_general3A_52 = tpu.matmul %concatenate3A_43, %concatenate3A_50, %dot_general3A_51 {dimension_numbers = #tpu.dot_dimension_numbers<[1], [1], [0], [0], [0, 0, 1, 0], [], []>, precision = #tpu.contract_precision<fp32>, transpose_lhs_hint = false} : vector<1024x65xf32>, vector<1024x65xf32>, vector<1024x1024xf32> -> vector<1024x1024xf32>
    %reduce_min3A = arith.constant dense<0x7F800000> : vector<1024xf32>
    %reduce_min3A_53 = vector.multi_reduction <minimumf>, %dot_general3A_52, %reduce_min3A [1] : vector<1024x1024xf32> to vector<1024xf32>
    %broadcast_in_dim3A_54 = vector.shape_cast %reduce_min3A_53 : vector<1024xf32> to vector<1024x1xf32>
    %iota3A = tpu.iota {dimensions = array<i32: 1>} : vector<1024x1024xi32>
    %eq3A = vector.broadcast %broadcast_in_dim3A_54 : vector<1024x1xf32> to vector<1024x1024xf32>
    %eq3A_55 = arith.cmpf oeq, %dot_general3A_52, %eq3A : vector<1024x1024xf32>
    %jit3A = arith.constant 1024 : i32
    %broadcast_in_dim3A_56 = vector.broadcast %jit3A : i32 to vector<1024x1024xi32>
    %select_n3A = arith.select %eq3A_55, %iota3A, %broadcast_in_dim3A_56 : vector<1024x1024xi1>, vector<1024x1024xi32>
    %reduce_min3A_57 = arith.constant dense<2147483647> : vector<1024xi32>
    %reduce_min3A_58 = vector.multi_reduction <minsi>, %select_n3A, %reduce_min3A_57 [1] : vector<1024x1024xi32> to vector<1024xi32>
    %broadcast_in_dim3A_59 = vector.shape_cast %reduce_min3A_58 : vector<1024xi32> to vector<1024x1xi32>
    %swap3A_60 = arith.constant 0 : index
    %swap3A_61 = arith.constant 0 : index
    %swap3A_62 = vector.load %arg11[%swap3A_60, %swap3A_61] : memref<1024x1xi32, #tpu.memory_space<vmem>>, vector<1024x1xi32>
    tpu.vector_store %arg11[%swap3A_60, %swap3A_61], %broadcast_in_dim3A_59 {strides = array<i32>} : memref<1024x1xi32, #tpu.memory_space<vmem>>, vector<1024x1xi32>,
    return
  }
  func.func @transform_0(%arg0: i32) -> (i32, i32) {
    %c0_i32 = arith.constant 0 : i32
    %c0_i32_0 = arith.constant 0 : i32
    return %arg0, %c0_i32 : i32, i32
  }
  func.func @transform_1(%arg0: i32) -> (i32, i32) {
    %c0_i32 = arith.constant 0 : i32
    %c0_i32_0 = arith.constant 0 : i32
    return %arg0, %c0_i32 : i32, i32
  }
  func.func @transform_2(%arg0: i32) -> (i32, i32) {
    %c0_i32 = arith.constant 0 : i32
    %c0_i32_0 = arith.constant 0 : i32
    %c0_i32_1 = arith.constant 0 : i32
    return %c0_i32, %c0_i32_0 : i32, i32
  }
  func.func @transform_3(%arg0: i32) -> (i32, i32) {
    %c0_i32 = arith.constant 0 : i32
    %c0_i32_0 = arith.constant 0 : i32
    %c0_i32_1 = arith.constant 0 : i32
    return %c0_i32, %c0_i32_0 : i32, i32
  }
  func.func @transform_4(%arg0: i32) -> (i32, i32) {
    %c0_i32 = arith.constant 0 : i32
    %c0_i32_0 = arith.constant 0 : i32
    %c0_i32_1 = arith.constant 0 : i32
    return %c0_i32, %c0_i32_0 : i32, i32
  }
  func.func @transform_5(%arg0: i32) -> (i32, i32) {
    %c0_i32 = arith.constant 0 : i32
    %c0_i32_0 = arith.constant 0 : i32
    %c0_i32_1 = arith.constant 0 : i32
    return %c0_i32, %c0_i32_0 : i32, i32
  }
  func.func @transform_6(%arg0: i32) -> (i32, i32) {
    %c0_i32 = arith.constant 0 : i32
    %c0_i32_0 = arith.constant 0 : i32
    %c0_i32_1 = arith.constant 0 : i32
    return %c0_i32, %c0_i32_0 : i32, i32
  }
  func.func @transform_7(%arg0: i32) -> (i32, i32) {
    %c0_i32 = arith.constant 0 : i32
    %c0_i32_0 = arith.constant 0 : i32
    %c0_i32_1 = arith.constant 0 : i32
    return %c0_i32, %c0_i32_0 : i32, i32
  }
  func.func @transform_8(%arg0: i32) -> (i32, i32) {
    %c0_i32 = arith.constant 0 : i32
    %c0_i32_0 = arith.constant 0 : i32
    %c0_i32_1 = arith.constant 0 : i32
    return %c0_i32, %c0_i32_0 : i32, i32
  }
  func.func @transform_9(%arg0: i32) -> (i32, i32) {
    %c0_i32 = arith.constant 0 : i32
    %c0_i32_0 = arith.constant 0 : i32
    return %arg0, %c0_i32 : i32, i32
  }
  func.func @transform_10(%arg0: i32) -> (i32, i32) {
    %c0_i32 = arith.constant 0 : i32
    %c0_i32_0 = arith.constant 0 : i32
    return %arg0, %c0_i32 : i32, i32
  }
}

</mosaic_0001>

<sc_bundles>
// kernel: kernel.4.cloned.1.call-start
scs
__scs_entry_jumppad:
0x0: {  	(pc) =	sbr.rel $0x88, $3  }
0x1: {  	(tag) =	ssettag $0x0;
	lr =	simm.s32 $0x1  }
0x2: {  	[smem:$0x3F98] =	sst lr;
	_ =	strace $0xD0000000  }
0x3: {  	_ = 	snop  }
0x4: {  	_ = 	snop  }
0x5: {  	_ = 	snop  }
0x6: {  	_ = 	snop  }
0x7: {  	_ = 	snop  }
__scs_overlays_trampoline_lowered:
0x8: {  	[smem:$0x3FA7] =	sst s0  }
0x9: {  	[smem:$0x3FA8] =	sst s1  }
0xa: {  	[smem:$0x3FA9] =	sst s2  }
0xb: {  	[smem:$0x3FAA] =	sst s3  }
0xc: {  	[smem:$0x3FAB] =	sst s4  }
0xd: {  	[smem:$0x3FAC] =	sst s5  }
0xe: {  	[smem:$0x3FAD] =	sst s6  }
0xf: {  	[smem:$0x3FAE] =	sst s7  }
0x10: {  	[smem:$0x3FAF] =	sst s8  }
0x11: {  	[smem:$0x3FB0] =	sst s9;
	s0 =	simm.s32 @!p0 $0x0  }
0x12: {  	s1 =	sld [smem:$0x3F96];
	s0 =	simm.s32 @p0 $0x1  }
0x13: {  	[smem:$0x3FB1] =	sst s0;
	s0 =	simm.s32 @!p1 $0x0  }
0x14: {  	s2 =	sld [smem:$0x3F95];
	s0 =	simm.s32 @p1 $0x1  }
0x15: {  	[smem:$0x3FB2] =	sst s0;
	s0 =	simm.s32 @!p2 $0x0  }
0x16: {  	s3 =	sld [smem:$0x3FDB];
	s0 =	simm.s32 @p2 $0x1  }
0x17: {  	s4 =	simm.s32 $0x1BF5;
	[smem:$0x3FB4] =	sst s0  }
0x18: {  	s0 =	sld [smem:$0x3F97];
	_ =	swait.ge [sflag:s4], $0x0  }
0x19: {  	s7 =	sld [smem:$0x3F98]  }
0x1a: {  	s8 =	sadd.s32 $0xFFFFE003, lr  }
0x1b: {  	s9 =	sadd.s32 $0xFFFFFEF7, lr;
	s5 =	simm.s32 $0xFFFFFFFF;
	p2 =	slt.u32 s8, $0xFFFFF086  }
0x1c: {  	p1 =	slt.u32 s9, $0xF7A;
	s5 =	simm.s32 @!p2 $0x0  }
0x1d: {  	s5 =	simm.s32 @p1 $0x1;
	p0 =	seq.s32 s7, s2  }
0x1e: {  	s7 =	smul.u32 @!p0 $0xF7A, s2;
	p2 =	seq.s32 @!p0 s5, $0x0  }
0x1f: {  	s9 =	smul.u32 $0xF7A, s1;
	s8 =	simm.s32 @!p0 $0x1BF5;
	p2 =	por !p2, p0  }
0x20: {  	[sflag:s8] =	ssyncset.s32 @!p0 $0xFFFFF086;
	s6 =	sadd.s32 @!p0 s3, s7;
	s7 =	simm.s32 @!p0 $0x108  }
0x21: {  	s3 =	sadd.s32 s3, s9;
	s6 =	sadd.s32 @!p0 $0x88, s6;
	s7 =	simm.s32 @p2 $0x1082  }
0x22: {  	[simem:s7], [sflag:s8] =	dma.local @!p0 [hbm:s6], $0xF7A  }
0x23: {  	s9 =	sor.u32 $0xD0000000, s2;
	s6 =	simm.s32 $0x108;
	_ =	swait.ge @!p0 [sflag:s8], $0x0  }
0x24: {  	s3 =	sadd.s32 $0x88, s3;
	s6 =	simm.s32 @!p1 $0x1082;
	[sflag:s4] =	ssyncset.s32 $0xFFFFF086  }
0x25: {  	[simem:s6], [sflag:s4] =	dma.local [hbm:s3], $0xF7A  }
0x26: {  	[smem:$0x3F98] =	sst s1;
	(tag) =	ssettag s2;
	_ =	strace s9  }
0x27: {  	s1 =	sld [smem:$0x3FA8]  }
0x28: {  	s2 =	sld [smem:$0x3FA9]  }
0x29: {  	s4 =	sld [smem:$0x3FAB]  }
0x2a: {  	p0 =	seq.s32 s5, $0x0;
	s5 =	sld [smem:$0x3FAC]  }
0x2b: {  	s6 =	sld [smem:$0x3FAD]  }
0x2c: {  	s7 =	sld [smem:$0x3FAE]  }
0x2d: {  	s3 =	simm.s32 $0x108;
	s8 =	sld [smem:$0x3FAF]  }
0x2e: {  	s3 =	simm.s32 @!p0 $0x1082;
	s9 =	sld [smem:$0x3FB0]  }
0x2f: {  	lr =	sadd.s32 s0, s3;
	s0 =	sld [smem:$0x3FA7]  }
0x30: {  	s3 =	sld [smem:$0x3FAA]  }
0x31: {  	[smem:$0x3FB3] =	sst s10  }
0x32: {  	s10 =	sld [smem:$0x3FB1];
	_ =	sdelay $0x3  }
0x33: {  	p0 =	seq.s32 s10, $0x1;
	s10 =	sld [smem:$0x3FB3];
	_ =	sdelay $0x3  }
0x34: {  	[smem:$0x3FB3] =	sst s10  }
0x35: {  	s10 =	sld [smem:$0x3FB2];
	_ =	sdelay $0x3  }
0x36: {  	p1 =	seq.s32 s10, $0x1;
	s10 =	sld [smem:$0x3FB3];
	_ =	sdelay $0x3  }
0x37: {  	[smem:$0x3FB3] =	sst s10  }
0x38: {  	s10 =	sld [smem:$0x3FB4]  }
0x39: {  	_ = 	snop;
	(pc) =	sbr.ind lr, $3  }
0x3a: {  	_ = 	snop  }
0x3b: {  	_ = 	snop  }
0x3c: {  	p2 =	seq.s32 s10, $0x1;
	s10 =	sld [smem:$0x3FB3]  }
0x3d: {  	_ =	shalt  }
0x3e: {  	_ =	shalt  }
0x3f: {  	_ =	shalt  }
0x40: {  	_ =	shalt  }
0x41: {  	_ =	shalt  }
0x42: {  	_ =	shalt  }
0x43: {  	_ =	shalt  }
0x44: {  	_ =	shalt  }
0x45: {  	_ =	shalt  }
0x46: {  	_ =	shalt  }
0x47: {  	_ =	shalt  }
0x48: {  	_ =	shalt  }
0x49: {  	_ =	shalt  }
0x4a: {  	_ =	shalt  }
0x4b: {  	_ =	shalt  }
0x4c: {  	_ =	shalt  }
0x4d: {  	_ =	shalt  }
0x4e: {  	_ =	shalt  }
0x4f: {  	_ =	shalt  }
0x50: {  	_ =	shalt  }
0x51: {  	_ =	shalt  }
0x52: {  	_ =	shalt  }
0x53: {  	_ =	shalt  }
0x54: {  	_ =	shalt  }
0x55: {  	_ =	shalt  }
0x56: {  	_ =	shalt  }
0x57: {  	_ =	shalt  }
0x58: {  	_ =	shalt  }
0x59: {  	_ =	shalt  }
0x5a: {  	_ =	shalt  }
0x5b: {  	_ =	shalt  }
0x5c: {  	_ =	shalt  }
0x5d: {  	_ =	shalt  }
0x5e: {  	_ =	shalt  }
0x5f: {  	_ =	shalt  }
0x60: {  	_ =	shalt  }
0x61: {  	_ =	shalt  }
0x62: {  	_ =	shalt  }
0x63: {  	_ =	shalt  }
0x64: {  	_ =	shalt  }
0x65: {  	_ =	shalt  }
0x66: {  	_ =	shalt  }
0x67: {  	_ =	shalt  }
0x68: {  	_ =	shalt  }
0x69: {  	_ =	shalt  }
0x6a: {  	_ =	shalt  }
0x6b: {  	_ =	shalt  }
0x6c: {  	_ =	shalt  }
0x6d: {  	_ =	shalt  }
0x6e: {  	_ =	shalt  }
0x6f: {  	_ =	shalt  }
0x70: {  	_ =	shalt  }
0x71: {  	_ =	shalt  }
0x72: {  	_ =	shalt  }
0x73: {  	_ =	shalt  }
0x74: {  	_ =	shalt  }
0x75: {  	_ =	shalt  }
0x76: {  	_ =	shalt  }
0x77: {  	_ =	shalt  }
0x78: {  	_ =	shalt  }
0x79: {  	_ =	shalt  }
0x7a: {  	_ =	shalt  }
0x7b: {  	_ =	shalt  }
0x7c: {  	_ =	shalt  }
0x7d: {  	_ =	shalt  }
0x7e: {  	_ =	shalt  }
0x7f: {  	_ =	shalt  }
0x80: {  	_ =	shalt  }
0x81: {  	_ =	shalt  }
0x82: {  	_ =	shalt  }
0x83: {  	_ =	shalt  }
0x84: {  	_ =	shalt  }
0x85: {  	_ =	shalt  }
0x86: {  	_ =	shalt  }
0x87: {  	_ =	shalt  }
.Lfunc_end0:
.L_simem_size_0:
called_computation_lowered:
.L_overlay_start_0:
0x88: {  	s2 =	sld [smem:$0x3FD9]  }
0x89: {  	s3 =	sld [smem:$0x3FFE];
	_ =	sdelay $0x1  }
0x8a: {  	s1 =	srdreg.scid  }
0x8b: {  	s0 =	sand.u32 $0x1, s1  }
0x8c: {  	s14 =	sshll.u32 s0, $0xA;
	s2 =	sadd.s32 s3, s2  }
0x8d: {  	s2 =	sadd.s32 s2, s14  }
0x8e: {  	[smem:$0x3FBF] =	sst s2  }
0x8f: {  	_ = 	snop  }
0x90: {  	s2 =	sld [smem:$0x3FD0];
	_ =	sdelay $0x2  }
0x91: {  	s15 =	simm.s32 $0xA;
	s4 =	simm.s32 $0x10  }
0x92: {  	[smem:s4], [sflag:s15] =	dma.local [hbm:s2], $0x1  }
0x93: {  	_ =	swait.eq [sflag:s15], $0x1  }
0x94: {  	[sflag:s15] =	ssyncset.done $0x0  }
0x95: {  	[sflag:s15] =	ssyncadd.s32 $0xFFFFFFFF  }
0x96: {  	s16 =	sld [smem:$0x11];
	(tm) =	ssettm $0x1  }
0x97: {  	s17 =	sld [smem:$0x3FFB];
	_ =	sdelay $0x3  }
0x98: {  	_ =	strace s17  }
0x99: {  	s3 =	sld [smem:$0x3FFC];
	_ =	sdelay $0x3  }
0x9a: {  	_ =	strace s3  }
0x9b: {  	s3 =	sld [smem:$0x3FFD];
	_ =	sdelay $0x3  }
0x9c: {  	_ =	strace s3  }
0x9d: {  	_ =	strace $0x8FFFFFFF  }
0x9e: {  	s18 =	sld [smem:$0x3FDB];
	_ =	sdelay $0x1  }
0x9f: {  	s19 =	simm.s32 $_scs_section_size  }
0xa0: {  	s5 =	simm.s32 $_size__tile_overlayer_lowered;
	s6 =	simm.s32 $_tile_overlayer_lowered  }
0xa1: {  	s22 =	simm.s32 $0x1BFF;
	s21 =	sshll.u32 s6, $0x1;
	s3 =	sadd.s32 s19, s18  }
0xa2: {  	s7 =	simm.s32 $0x0;
	s20 =	sshll.u32 s5, $0x1;
	s5 =	sadd.s32 s21, s3  }
0xa3: {  	[timem:s7], [sflag:s22] =	dma.local [hbm:s5], s20  }
0xa4: {  	_ =	swait.ge [sflag:s22], s20  }
0xa5: {  	s4 =	ssub.s32 $0x0, s20;
	[sflag:s22] =	ssyncset.done $0x0  }
0xa6: {  	[sflag:s22] =	ssyncadd.s32 s4;
	_ =	sdelay $0x1  }
0xa7: {  	s23 =	simm.s32 $0x1B8B  }
0xa8: {  	_ =	swait.ge [sflag:s23], $0x1  }
0xa9: {  	[sflag:s23] =	ssyncset.done $0x0  }
0xaa: {  	s25 =	simm.s32 $0x1B8E;
	s24 =	sld [smem:$0x3FFE];
	[sflag:s23] =	ssyncadd.s32 $0xFFFFFFFF  }
0xab: {  	s26 =	simm.s32 $execute0_lowered;
	[smem:$0x3FD2] =	sst s25  }
0xac: {  	s5 =	sshll.u32 s26, $0x1;
	_ =	strace $0x80000046;
	[dreg:$0x1] =	wrdreg $0xFFFFFFFF  }
0xad: {  	s28 =	simm.s32 $_size_execute0_lowered;
	s3 =	sadd.s32 s3, s5;
	[dreg:$0x0] =	wrdreg $0x0  }
0xae: {  	s5 =	sshll.u32 s28, $0x1;
	[dreg:$0x2] =	wrdreg s3  }
0xaf: {  	[dreg:$0x3] =	wrdreg s5  }
0xb0: {  	[dreg:$0x4] =	wrdreg $0xC0  }
0xb1: {  	_ =	task [dreg:s7], $0x5FFFF  }
0xb2: {  	[dreg:$0x1] =	wrdreg $0xFFFFFFFF  }
0xb3: {  	[dreg:$0x0] =	wrdreg $0x60  }
0xb4: {  	[dreg:$0x2] =	wrdreg s24  }
0xb5: {  	[dreg:$0x3] =	wrdreg s16  }
0xb6: {  	[dreg:$0x4] =	wrdreg $0x9  }
0xb7: {  	_ =	task.clear_ibuf [dreg:s7], $0x5FFFF;
	_ =	strace $0x90000046  }
0xb8: {  	s29 =	simm.s32 $0x9;
	_ =	strace $0x80000048  }
0xb9: {  	_ =	swait.ge [sflag:s29], $0x1  }
0xba: {  	[sflag:s29] =	ssyncadd.s32 $0xFFFFFFFF  }
0xbb: {  	_ =	strace $0x90000048  }
0xbc: {  	_ =	sfence  }
0xbd: {  	s30 =	sld [smem:$0x0];
	_ =	sdelay $0x2  }
0xbe: {  	s31 =	sshll.u32 s1, $0xD;
	s1 =	sshrl.u32 s1, $0x2  }
0xbf: {  	s3 =	sand.u32 $0x4000, s31;
	s1 =	sadd.s32 s1, s30  }
0xc0: {  	s0 =	sor.u32 s3, s0;
	s1 =	sshll.u32 s1, $0x11  }
0xc1: {  	s0 =	sor.u32 s1, s0  }
0xc2: {  	s0 =	sadd.s32 $0x8F2B, s0  }
0xc3: {  	[sflag:s0] =	ssyncadd.remote.s32 $0x1  }
0xc4: {  	_ =	sfence.sel $0xFFFF  }
0xc5: {  	[dreg:$0x0] =	wrdreg $0xFFFFFFFF;
	(pc) =	sbr.abs _section_cstart, $3  }
0xc6: {  	[dreg:$0x1] =	wrdreg $0xFFFFFFFF  }
0xc7: {  	_ =	task.clear_ibuf [dreg:s7], $0x2FFFF;
	_ =	strace $0x9FFFFFFF  }
0xc8: {  	(tm) =	ssettm $0x7FFFFFFF  }
0xc9: {  	_ =	shalt  }
tec
execute0_lowered:
.L_overlay_start_1:
0x0: {  	(tag) =	ssettag $0x1  }
0x1: {  	s1 =	srdreg.scid  }
0x2: {  	s14 =	rddreg [dreg:$0x0];
	s0 =	stileid.u32;
	s15 =	sand.u32 $0x1, s1  }
0x3: {  	s3 =	rddreg [dreg:$0x1];
	s4 =	sshll.u32 s0, $0x6;
	s5 =	sshll.u32 s15, $0x5  }
0x4: {  	s2 =	simm.s32 $0x0;
	s1 =	rddreg [dreg:$0x2];
	s16 =	sor.u32 s5, s4  }
0x5: {  	[smem:$0x7FF] =	sst s2;
	s4 =	sshrl.u32 s16, $0x3  }
0x6: {  	_ =	strace $0x80000047;
	s4 =	sadd.s32 s3, s4;
	s3 =	simm.s32 $0x2  }
0x7: {  	[tilespmem:s2], [sflag:$0x2] =	stream.linear.gather [hbm4b:s4+s2], $0x20, $0x38;
	[tilespmem:$0x1080] =	vst v63  }
0x8: {  	_ =	swait.ge [sflag:s3], $0x20  }
0x9: {  	s6 =	simm.s32 $0x8;
	[sflag:s3] =	ssyncset.done $0x0  }
0xa: {  	s7 =	simm.s32 $0x80;
	s5 =	sadd.s32 $0x1000, s14;
	[sflag:s3] =	ssyncadd.s32 $0xFFFFFFE0  }
0xb: {  	[tilespmem:s7], [sflag:$0x1] =	stream.indirect.gather [hbm4b:s5+s6], $0x80, s2, s6, $0xb8;
	[tilespmem:$0x1080] =	vst v63  }
0xc: {  	s8 =	simm.s32 $0x480  }
0xd: {  	[tilespmem:s8], [sflag:$0x1] =	stream.indirect.gather [hbm4b:s5+s6], $0x80, s6, s6, $0xb8;
	[tilespmem:$0x1080] =	vst v63  }
0xe: {  	s9 =	simm.s32 $0x10;
	s10 =	simm.s32 $0x880  }
0xf: {  	[tilespmem:s10], [sflag:$0x1] =	stream.indirect.gather [hbm4b:s5+s6], $0x80, s9, s6, $0xb8;
	[tilespmem:$0x1080] =	vst v63  }
0x10: {  	s11 =	simm.s32 $0x18;
	s12 =	simm.s32 $0xC80;
	s13 =	simm.s32 $0x1  }
0x11: {  	[tilespmem:s12], [sflag:$0x1] =	stream.indirect.gather [hbm4b:s5+s6], $0x80, s11, s6, $0xb8;
	[tilespmem:$0x1080] =	vst v63  }
0x12: {  	_ =	swait.ge [sflag:s13], $0x400  }
0x13: {  	[sflag:s13] =	ssyncset.done $0x0  }
0x14: {  	[sflag:s13] =	ssyncadd.s32 $0xFFFFFC00  }
0x15: {  	_ =	swait.ge [sflag:s13], $0x400  }
0x16: {  	[sflag:s13] =	ssyncset.done $0x0  }
0x17: {  	s15 =	ssub.s32 $0x2, s15;
	[sflag:s13] =	ssyncadd.s32 $0xFFFFFC00  }
0x18: {  	s17 =	sshrl.u32 s15, $0x1;
	_ =	swait.ge [sflag:s13], $0x400  }
0x19: {  	s15 =	ssub.s32 s15, s17;
	[sflag:s13] =	ssyncset.done $0x0  }
0x1a: {  	s15 =	smax.u32 s15, $0x1;
	[sflag:s13] =	ssyncadd.s32 $0xFFFFFC00  }
0x1b: {  	s16 =	sshll.u32 s16, $0x4;
	p0 =	sne.s32 s15, $0x1;
	_ =	swait.ge [sflag:s13], $0x400  }
.Ltmp0:
0x1c: {  	s14 =	sadd.s32 s16, s14;
	[sflag:s13] =	ssyncset.done $0x0;
	(pc) =	sbr.rel @!p0 .LBB2_2-.Ltmp0, $4  }
0x1d: {  	s14 =	sadd.s32 $0x5000, s14;
	[sflag:s13] =	ssyncadd.s32 $0xFFFFFC00  }
0x1e: {  	[hbm4b:s14+s2] =	stream.linear.scatter [tilespmem:s7], [sflag:$0x2], $0x1000, $0x38;
	[tilespmem:$0x1080] =	vst v63  }
0x1f: {  	_ =	swait.ge [sflag:s3], $0x1000  }
0x20: {  	s15 =	sadd.s32 $0xFFFFFFFF, s15;
	[sflag:s3] =	ssyncset.done $0x0  }
.LBB2_1:
0x21: {  	p0 =	sne.s32 s15, $0x1;
	s15 =	sadd.s32 $0xFFFFFFFF, s15;
	[sflag:s3] =	ssyncadd.s32 $0xFFFFF000  }
0x22: {  	[tilespmem:s2], [sflag:$0x2] =	stream.linear.gather [hbm4b:s4+s2], $0x20, $0x38;
	[tilespmem:$0x1080] =	vst v63  }
0x23: {  	_ =	swait.ge [sflag:s3], $0x20  }
0x24: {  	[sflag:s3] =	ssyncset.done $0x0  }
0x25: {  	[sflag:s3] =	ssyncadd.s32 $0xFFFFFFE0  }
0x26: {  	[tilespmem:s7], [sflag:$0x1] =	stream.indirect.gather [hbm4b:s5+s6], $0x80, s2, s6, $0xb8;
	[tilespmem:$0x1080] =	vst v63  }
0x27: {  	_ = 	snop  }
0x28: {  	[tilespmem:s8], [sflag:$0x1] =	stream.indirect.gather [hbm4b:s5+s6], $0x80, s6, s6, $0xb8;
	[tilespmem:$0x1080] =	vst v63  }
0x29: {  	_ = 	snop  }
0x2a: {  	[tilespmem:s10], [sflag:$0x1] =	stream.indirect.gather [hbm4b:s5+s6], $0x80, s9, s6, $0xb8;
	[tilespmem:$0x1080] =	vst v63  }
0x2b: {  	_ = 	snop  }
0x2c: {  	[tilespmem:s12], [sflag:$0x1] =	stream.indirect.gather [hbm4b:s5+s6], $0x80, s11, s6, $0xb8;
	[tilespmem:$0x1080] =	vst v63  }
0x2d: {  	_ =	swait.ge [sflag:s13], $0x400  }
0x2e: {  	[sflag:s13] =	ssyncset.done $0x0  }
0x2f: {  	[sflag:s13] =	ssyncadd.s32 $0xFFFFFC00  }
0x30: {  	_ =	swait.ge [sflag:s13], $0x400  }
0x31: {  	[sflag:s13] =	ssyncset.done $0x0  }
0x32: {  	[sflag:s13] =	ssyncadd.s32 $0xFFFFFC00  }
0x33: {  	_ =	swait.ge [sflag:s13], $0x400  }
0x34: {  	[sflag:s13] =	ssyncset.done $0x0  }
0x35: {  	[sflag:s13] =	ssyncadd.s32 $0xFFFFFC00  }
0x36: {  	_ =	swait.ge [sflag:s13], $0x400  }
.Ltmp1:
0x37: {  	[sflag:s13] =	ssyncset.done $0x0;
	(pc) =	sbr.rel @p0 .LBB2_1-.Ltmp1, $4  }
0x38: {  	[sflag:s13] =	ssyncadd.s32 $0xFFFFFC00  }
0x39: {  	[hbm4b:s14+s2] =	stream.linear.scatter [tilespmem:s7], [sflag:$0x2], $0x1000, $0x38;
	[tilespmem:$0x1080] =	vst v63  }
0x3a: {  	_ =	swait.ge [sflag:s3], $0x1000  }
0x3b: {  	[sflag:s3] =	ssyncset.done $0x0  }
.LBB2_2:
0x3c: {  	[sflag:s3] =	ssyncadd.s32 $0xFFFFF000  }
0x3d: {  	_ =	sfence.sel $0x180000  }
0x3e: {  	[bflag:$0x0] =	sbarrier.arrive $0xFFFF  }
0x3f: {  	p0 =	sne.s32 s0, $0x0;
	_ =	strace $0x90000047  }
0x40: {  	s0 =	sadd.s32 @!p0 $0x100000, s1;
	[bflag:$0x2] =	sbarrier.arrive $0xFFFF  }
0x41: {  	[sflag:s0] =	ssyncadd.tile.s32 @!p0 $0x1;
	_ =	shalt  }
.Lfunc_end2:
_tile_overlayer_lowered:
.L_overlay_start_2:
0x42: {  	(tag) =	ssettag $0x2  }
0x43: {  	s0 =	rddreg [dreg:$0x0];
	s2 =	stileid.u32  }
0x44: {  	s1 =	rddreg [dreg:$0x1];
	p0 =	sne.s32 s2, $0x0  }
0x45: {  	s3 =	rddreg [dreg:$0x2];
	[bflag:$0x3] =	sbarrier.arrive $0xFFFF;
	s2 =	simm.s32 @!p0 $0x1C02  }
0x46: {  	[timem:s3], [sflag:s2] =	dma.local @!p0 [hbm:s0], s1  }
0x47: {  	s0 =	simm.s32 @!p0 $0x2  }
0x48: {  	_ =	swait.ge @!p0 [sflag:s0], s1  }
0x49: {  	s1 =	ssub.s32 @!p0 $0x0, s1;
	[sflag:s0] =	ssyncset.done @!p0 $0x0  }
0x4a: {  	[sflag:s0] =	ssyncadd.s32 @!p0 s1  }
0x4b: {  	[bflag:$0x3] =	sbarrier.arrive $0xFFFF  }
0x4c: {  	_ =	shalt  }

</sc_bundles>
